<compile_context>
chip_gen: v7x
topology: tpu7x:2x2x1
jax: 0.10.2.dev20260603
libtpu: 0.0.44.dev20260713+nightly
codegen_flags: <defaults>
</compile_context>

<pallas_src>
import functools

import jax
import jax.numpy as jnp
from jax import lax
from jax.experimental import pallas as pl
from jax.experimental.pallas import tpu as pltpu
from jax.experimental.pallas import tpu_sc as plsc

_K = 512
_D = 32
_CHUNK = 1024


def _tree_sum_minor(v):
    groups = []
    for g in range(4):
        b = v[:, 8 * g:8 * g + 8]
        b = b[:, :4] + b[:, 4:]
        b = b[:, :2] + b[:, 2:]
        b = b[:, :1] + b[:, 1:]
        groups.append(b)
    return (groups[0] + groups[1]) + (groups[2] + groups[3])


def _tc_body(x_ref, c_ref, ct_ref, idx_ref, loss_ref):
    x = x_ref[...]
    c = c_ref[...]
    ct = ct_ref[...]
    cn = jnp.sum(ct * ct, axis=0, keepdims=True)
    xc = lax.dot_general(x, ct, (((1,), (0,)), ((), ())),
                         preferred_element_type=jnp.float32,
                         precision=lax.Precision.HIGHEST)
    s = cn - 2.0 * xc
    iota = lax.broadcasted_iota(jnp.int32, s.shape, 1)
    idx1 = jnp.argmin(s, axis=1).astype(jnp.int32)
    m1 = idx1[:, None] == iota
    s2 = jnp.where(m1, jnp.float32(1e30), s)
    idx2 = jnp.argmin(s2, axis=1).astype(jnp.int32)
    m2 = idx2[:, None] == iota
    cdims = (((1,), (0,)), ((), ()))
    c1 = lax.dot_general(m1.astype(jnp.float32), c, cdims,
                         preferred_element_type=jnp.float32,
                         precision=lax.Precision.HIGHEST)
    c2 = lax.dot_general(m2.astype(jnp.float32), c, cdims,
                         preferred_element_type=jnp.float32,
                         precision=lax.Precision.HIGHEST)
    r1 = x - c1
    d1 = _tree_sum_minor(r1 * r1)
    r2 = x - c2
    d2 = _tree_sum_minor(r2 * r2)
    take1 = (d1 < d2) | ((d1 == d2) & (idx1[:, None] < idx2[:, None]))
    win = jnp.where(take1[:, 0], idx1, idx2)
    dmin = jnp.where(take1, d1, d2)
    idx_ref[...] = win[:, None]
    part = jnp.sum(dmin, axis=0, keepdims=True) * jnp.float32(2.0 ** -20)

    @pl.when(pl.program_id(0) == 0)
    def _():
        loss_ref[...] = jnp.zeros_like(loss_ref[...])

    loss_ref[...] += part


def _sc_gather(table, idx):
    info = plsc.get_sparse_core_info()
    nw = info.num_cores * info.num_subcores
    n = idx.shape[0]
    bpw = n // nw
    mesh = plsc.VectorSubcoreMesh(core_axis_name="c", subcore_axis_name="s")

    @functools.partial(
        pl.kernel, mesh=mesh,
        out_type=jax.ShapeDtypeStruct((n, _D), jnp.float32),
        compiler_params=pltpu.CompilerParams(use_tc_tiling_on_sc=False),
        scratch_types=[
            pltpu.VMEM((bpw,), jnp.int32),
            pltpu.VMEM((bpw, _D), jnp.float32),
            pltpu.SemaphoreType.DMA,
        ],
    )
    def gather_kernel(table_hbm, idx_hbm, out_hbm, idx_v, rows_v, sem):
        wid = lax.axis_index("s") * info.num_cores + lax.axis_index("c")
        base = wid * bpw
        pltpu.sync_copy(idx_hbm.at[pl.ds(base, bpw)], idx_v)
        pltpu.async_copy(table_hbm.at[idx_v], rows_v, sem).wait()
        pltpu.sync_copy(rows_v, out_hbm.at[pl.ds(base, bpw)])

    return gather_kernel(table, idx)


def kernel(inputs, codewords):
    shape = inputs.shape
    n = shape[0] * shape[1]
    x = inputs.reshape(n, _D)
    ct = codewords.T
    idx2d, loss2d = pl.pallas_call(
        _tc_body,
        grid=(n // _CHUNK,),
        in_specs=[
            pl.BlockSpec((_CHUNK, _D), lambda i: (i, 0)),
            pl.BlockSpec((_K, _D), lambda i: (0, 0)),
            pl.BlockSpec((_D, _K), lambda i: (0, 0)),
        ],
        out_specs=[
            pl.BlockSpec((_CHUNK, 1), lambda i: (i, 0)),
            pl.BlockSpec((1, 1), lambda i: (0, 0)),
        ],
        out_shape=[
            jax.ShapeDtypeStruct((n, 1), jnp.int32),
            jax.ShapeDtypeStruct((1, 1), jnp.float32),
        ],
    )(x, codewords, ct)
    idx_flat = idx2d.reshape(n)
    quantized = _sc_gather(codewords, idx_flat).reshape(shape)
    indices = idx2d.reshape(shape[:-1])
    loss = loss2d[0, 0]
    return quantized, indices, loss

# --- scband reference (transcript-rebuilt; emitter-appended) ---
"""Pipeline reference for scband-vector-quantizer-ema-46883863003322 (READ-ONLY COPY).

The authoritative reference and input builder live on the scoring server;
editing this copy changes nothing except your own understanding.
"""

import jax, jax.numpy as jnp
import numpy as np


def setup_inputs(seed: int = 0) -> dict:
    key = jax.random.key(seed)
    k1, k2 = jax.random.split(key)
    inputs = jax.random.normal(k1, (8, 1024, 32), dtype=jnp.float32)
    codewords = jax.random.normal(k2, (512, 32), dtype=jnp.float32)
    return {"inputs": inputs, "codewords": codewords}


def reference(inputs, codewords):
    # Eval-mode forward of VectorQuantizerEMA (no EMA updates, no restarts).
    commitment_cost = 0.25
    codewords_dim = codewords.shape[1]
    inputs_shape = inputs.shape
    flat_inputs = inputs.reshape(-1, codewords_dim)
    # distances: (N, K) via broadcasted squared difference, faithful to torch code
    distances = jnp.sum((flat_inputs[:, None, :] - codewords[None, :, :]) ** 2, axis=2)
    encoding_indices = jnp.argmin(distances, axis=1)
    quantized = jnp.take(codewords, encoding_indices, axis=0).reshape(inputs_shape)
    commitment_loss = jnp.mean((jax.lax.stop_gradient(quantized) - inputs) ** 2)
    loss = commitment_cost * commitment_loss
    encoding_indices = encoding_indices.reshape(inputs_shape[:-1])
    return (quantized, encoding_indices, loss)

if __name__ == "__main__":
    import jax
    _d = setup_inputs()
    print(jax.jit(kernel)(*tuple(_d.values())))

</pallas_src>

<mosaic_0001>
#map = affine_map<(d0, d1) -> (0, 0)>
#map1 = affine_map<(d0, d1) -> (0)>
module attributes {stable_mosaic.version = 14 : i64} {
  func.func @gather_kernel(%arg0: i32, %arg1: i32, %arg2: memref<512x32xf32, #tpu.memory_space<hbm>>, %arg3: memref<8192xi32, #tpu.memory_space<hbm>>, %arg4: memref<8192x32xf32, #tpu.memory_space<hbm>>, %arg5: memref<256xi32, #tpu.memory_space<vmem>>, %arg6: memref<256x32xf32, #tpu.memory_space<vmem>>, %arg7: memref<!tpu.dma_semaphore, #tpu.memory_space<semaphore_mem>>) attributes {dimension_semantics = [#tpu.dimension_semantics<core_parallel>, #tpu.dimension_semantics<subcore_parallel>], iteration_bounds = array<i64: 2, 16>, scalar_prefetch = 0 : i64, scratch_operands = 3 : i64, tpu.core_type = #tpu.core_type<sc_vector_subcore>, window_params = [{transform_indices = #map}, {transform_indices = #map1}, {transform_indices = #map}]} {
    %mul3A = arith.constant 2 : i32
    %mul3A_0 = arith.muli %arg1, %mul3A : i32
    %add3A = arith.addi %mul3A_0, %arg0 : i32
    %mul3A_1 = arith.constant 256 : i32
    %mul3A_2 = arith.muli %add3A, %mul3A_1 : i32
    "tpu.region"() ({
      %run_scoped3A = tpu.sem_alloc : memref<!tpu.dma_semaphore, #tpu.memory_space<semaphore_mem>>
      %dma_start3A_7 = tpu.memref_slice %arg3[%mul3A_2] : memref<8192xi32, #tpu.memory_space<hbm>> -> memref<256xi32, #tpu.memory_space<hbm>>
      %dma_start3A_8 = tpu.memref_slice %arg3[%mul3A_2] : memref<8192xi32, #tpu.memory_space<hbm>> -> memref<256xi32, #tpu.memory_space<hbm>>
      tpu.enqueue_dma source(%dma_start3A_8 : memref<256xi32, #tpu.memory_space<hbm>>) target(%arg5 : memref<256xi32, #tpu.memory_space<vmem>>) target_semaphore(%run_scoped3A : memref<!tpu.dma_semaphore, #tpu.memory_space<semaphore_mem>>)
      %dma_wait3A_9 = tpu.memref_slice %arg3[%mul3A_2] : memref<8192xi32, #tpu.memory_space<hbm>> -> memref<256xi32, #tpu.memory_space<hbm>>
      %dma_wait3A_10 = tpu.memref_slice %arg3[%mul3A_2] : memref<8192xi32, #tpu.memory_space<hbm>> -> memref<256xi32, #tpu.memory_space<hbm>>
      tpu.wait_dma2 semaphore(%run_scoped3A : memref<!tpu.dma_semaphore, #tpu.memory_space<semaphore_mem>>) src(%dma_wait3A_10 : memref<256xi32, #tpu.memory_space<hbm>>) dst(%arg5 : memref<256xi32, #tpu.memory_space<vmem>>)
      tpu.yield
    }) : () -> ()
    %dma_start3A = arith.constant 0 : i32
    %dma_start3A_3 = arith.constant 0 : i32
    %dma_start3A_4 = tpu.memref_slice %arg2[%dma_start3A, %dma_start3A_3] : memref<512x32xf32, #tpu.memory_space<hbm>> -> memref<512x32xf32, #tpu.memory_space<hbm>>
    tpu.enqueue_indirect_dma source(%dma_start3A_4 : memref<512x32xf32, #tpu.memory_space<hbm>>) target(%arg6 : memref<256x32xf32, #tpu.memory_space<vmem>>) offsets(%arg5 : memref<256xi32, #tpu.memory_space<vmem>>) semaphore(%arg7 : memref<!tpu.dma_semaphore, #tpu.memory_space<semaphore_mem>>)
    %dma_wait3A = arith.constant 0 : i32
    %dma_wait3A_5 = arith.constant 0 : i32
    %dma_wait3A_6 = tpu.memref_slice %arg2[%dma_wait3A, %dma_wait3A_5] : memref<512x32xf32, #tpu.memory_space<hbm>> -> memref<512x32xf32, #tpu.memory_space<hbm>>
    tpu.wait_indirect_dma semaphore(%arg7 : memref<!tpu.dma_semaphore, #tpu.memory_space<semaphore_mem>>) src(%dma_wait3A_6 : memref<512x32xf32, #tpu.memory_space<hbm>>) dst(%arg6 : memref<256x32xf32, #tpu.memory_space<vmem>>)
    "tpu.region"() ({
      %run_scoped3A = tpu.sem_alloc : memref<!tpu.dma_semaphore, #tpu.memory_space<semaphore_mem>>
      %dma_start3A_7 = arith.constant 0 : i32
      %dma_start3A_8 = tpu.memref_slice %arg4[%mul3A_2, %dma_start3A_7] : memref<8192x32xf32, #tpu.memory_space<hbm>> -> memref<256x32xf32, #tpu.memory_space<hbm>>
      %dma_start3A_9 = arith.constant 0 : i32
      %dma_start3A_10 = tpu.memref_slice %arg4[%mul3A_2, %dma_start3A_9] : memref<8192x32xf32, #tpu.memory_space<hbm>> -> memref<256x32xf32, #tpu.memory_space<hbm>>
      tpu.enqueue_dma source(%arg6 : memref<256x32xf32, #tpu.memory_space<vmem>>) target(%dma_start3A_10 : memref<256x32xf32, #tpu.memory_space<hbm>>) target_semaphore(%run_scoped3A : memref<!tpu.dma_semaphore, #tpu.memory_space<semaphore_mem>>)
      %dma_wait3A_11 = arith.constant 0 : i32
      %dma_wait3A_12 = tpu.memref_slice %arg4[%mul3A_2, %dma_wait3A_11] : memref<8192x32xf32, #tpu.memory_space<hbm>> -> memref<256x32xf32, #tpu.memory_space<hbm>>
      %dma_wait3A_13 = arith.constant 0 : i32
      %dma_wait3A_14 = tpu.memref_slice %arg4[%mul3A_2, %dma_wait3A_13] : memref<8192x32xf32, #tpu.memory_space<hbm>> -> memref<256x32xf32, #tpu.memory_space<hbm>>
      tpu.wait_dma2 semaphore(%run_scoped3A : memref<!tpu.dma_semaphore, #tpu.memory_space<semaphore_mem>>) src(%arg6 : memref<256x32xf32, #tpu.memory_space<vmem>>) dst(%dma_wait3A_14 : memref<256x32xf32, #tpu.memory_space<hbm>>)
      tpu.yield
    }) : () -> ()
    return
  }
}

module attributes {stable_mosaic.version = 14 : i64} {
  func.func @_tc_body(%arg0: i32, %arg1: memref<1024x32xf32, #tpu.memory_space<vmem>>, %arg2: memref<512x32xf32, #tpu.memory_space<vmem>>, %arg3: memref<32x512xf32, #tpu.memory_space<vmem>>, %arg4: memref<1024x1xi32, #tpu.memory_space<vmem>>, %arg5: memref<1x1xf32, #tpu.memory_space<vmem>>) attributes {dimension_semantics = [#tpu.dimension_semantics<arbitrary>], iteration_bounds = array<i64: 8>, scalar_prefetch = 0 : i64, scratch_operands = 0 : i64, tpu.core_type = #tpu.core_type<tc>, window_params = [{transform_indices = @transform_0, window_bounds = array<i64: 1024, 32>}, {pipeline_mode = #tpu.pipeline_mode<synchronous>, transform_indices = @transform_1, window_bounds = array<i64: 512, 32>}, {pipeline_mode = #tpu.pipeline_mode<synchronous>, transform_indices = @transform_2, window_bounds = array<i64: 32, 512>}, {transform_indices = @transform_3, window_bounds = array<i64: 1024, 1>}, {pipeline_mode = #tpu.pipeline_mode<synchronous>, transform_indices = @transform_4, window_bounds = array<i64: 1, 1>}]} {
    %get3A = arith.constant 0 : index
    %get3A_0 = arith.constant 0 : index
    %get3A_1 = vector.load %arg1[%get3A, %get3A_0] : memref<1024x32xf32, #tpu.memory_space<vmem>>, vector<1024x32xf32>
    %get3A_2 = arith.constant 0 : index
    %get3A_3 = arith.constant 0 : index
    %get3A_4 = vector.load %arg2[%get3A_2, %get3A_3] : memref<512x32xf32, #tpu.memory_space<vmem>>, vector<512x32xf32>
    %get3A_5 = arith.constant 0 : index
    %get3A_6 = arith.constant 0 : index
    %get3A_7 = vector.load %arg3[%get3A_5, %get3A_6] : memref<32x512xf32, #tpu.memory_space<vmem>>, vector<32x512xf32>
    %mul3A = arith.mulf %get3A_7, %get3A_7 : vector<32x512xf32>
    %reduce_sum3A = arith.constant dense<0.000000e+00> : vector<512xf32>
    %reduce_sum3A_8 = vector.multi_reduction <add>, %mul3A, %reduce_sum3A [0] : vector<32x512xf32> to vector<512xf32>
    %broadcast_in_dim3A = vector.shape_cast %reduce_sum3A_8 : vector<512xf32> to vector<1x512xf32>
    %dot_general3A = arith.constant dense<0.000000e+00> : vector<1024x512xf32>
    %dot_general3A_9 = tpu.matmul %get3A_1, %get3A_7, %dot_general3A {dimension_numbers = #tpu.dot_dimension_numbers<[1], [0], [0], [1], [0, 0, 1, 1], [], []>, precision = #tpu.contract_precision<fp32>, transpose_lhs_hint = false} : vector<1024x32xf32>, vector<32x512xf32>, vector<1024x512xf32> -> vector<1024x512xf32>
    %mul3A_10 = arith.constant 2.000000e+00 : f32
    %mul3A_11 = vector.broadcast %mul3A_10 : f32 to vector<1024x512xf32>
    %mul3A_12 = arith.mulf %mul3A_11, %dot_general3A_9 : vector<1024x512xf32>
    %sub3A = vector.broadcast %broadcast_in_dim3A : vector<1x512xf32> to vector<1024x512xf32>
    %sub3A_13 = arith.subf %sub3A, %mul3A_12 : vector<1024x512xf32>
    %iota3A = tpu.iota {dimensions = array<i32: 1>} : vector<1024x512xi32>
    %argmin3A = tpu.reduce_index %sub3A_13 {axis = 1 : i32, kind = #tpu.reduction_kind<arg_min>} : vector<1024x512xf32> -> vector<1024xi32>
    %broadcast_in_dim3A_14 = vector.shape_cast %argmin3A : vector<1024xi32> to vector<1024x1xi32>
    %eq3A = vector.broadcast %broadcast_in_dim3A_14 : vector<1024x1xi32> to vector<1024x512xi32>
    %eq3A_15 = arith.cmpi eq, %eq3A, %iota3A : vector<1024x512xi32>
    %jit3A = arith.constant 1.000000e+30 : f32
    %broadcast_in_dim3A_16 = vector.broadcast %jit3A : f32 to vector<1024x512xf32>
    %select_n3A = arith.select %eq3A_15, %broadcast_in_dim3A_16, %sub3A_13 : vector<1024x512xi1>, vector<1024x512xf32>
    %argmin3A_17 = tpu.reduce_index %select_n3A {axis = 1 : i32, kind = #tpu.reduction_kind<arg_min>} : vector<1024x512xf32> -> vector<1024xi32>
    %broadcast_in_dim3A_18 = vector.shape_cast %argmin3A_17 : vector<1024xi32> to vector<1024x1xi32>
    %eq3A_19 = vector.broadcast %broadcast_in_dim3A_18 : vector<1024x1xi32> to vector<1024x512xi32>
    %eq3A_20 = arith.cmpi eq, %eq3A_19, %iota3A : vector<1024x512xi32>
    %convert_element_type3A = arith.extui %eq3A_15 : vector<1024x512xi1> to vector<1024x512xi32>
    %convert_element_type3A_21 = arith.sitofp %convert_element_type3A : vector<1024x512xi32> to vector<1024x512xf32>
    %dot_general3A_22 = arith.constant dense<0.000000e+00> : vector<1024x32xf32>
    %dot_general3A_23 = tpu.matmul %convert_element_type3A_21, %get3A_4, %dot_general3A_22 {dimension_numbers = #tpu.dot_dimension_numbers<[1], [0], [0], [1], [0, 0, 1, 1], [], []>, precision = #tpu.contract_precision<fp32>, transpose_lhs_hint = false} : vector<1024x512xf32>, vector<512x32xf32>, vector<1024x32xf32> -> vector<1024x32xf32>
    %convert_element_type3A_24 = arith.extui %eq3A_20 : vector<1024x512xi1> to vector<1024x512xi32>
    %convert_element_type3A_25 = arith.sitofp %convert_element_type3A_24 : vector<1024x512xi32> to vector<1024x512xf32>
    %dot_general3A_26 = arith.constant dense<0.000000e+00> : vector<1024x32xf32>
    %dot_general3A_27 = tpu.matmul %convert_element_type3A_25, %get3A_4, %dot_general3A_26 {dimension_numbers = #tpu.dot_dimension_numbers<[1], [0], [0], [1], [0, 0, 1, 1], [], []>, precision = #tpu.contract_precision<fp32>, transpose_lhs_hint = false} : vector<1024x512xf32>, vector<512x32xf32>, vector<1024x32xf32> -> vector<1024x32xf32>
    %sub3A_28 = arith.subf %get3A_1, %dot_general3A_23 : vector<1024x32xf32>
    %mul3A_29 = arith.mulf %sub3A_28, %sub3A_28 : vector<1024x32xf32>
    %slice3A = vector.extract_strided_slice %mul3A_29 {offsets = [0, 0], sizes = [1024, 8], strides = [1, 1]} : vector<1024x32xf32> to vector<1024x8xf32>
    %slice3A_30 = vector.extract_strided_slice %slice3A {offsets = [0, 0], sizes = [1024, 4], strides = [1, 1]} : vector<1024x8xf32> to vector<1024x4xf32>
    %slice3A_31 = vector.extract_strided_slice %slice3A {offsets = [0, 4], sizes = [1024, 4], strides = [1, 1]} : vector<1024x8xf32> to vector<1024x4xf32>
    %add3A = arith.addf %slice3A_30, %slice3A_31 : vector<1024x4xf32>
    %slice3A_32 = vector.extract_strided_slice %add3A {offsets = [0, 0], sizes = [1024, 2], strides = [1, 1]} : vector<1024x4xf32> to vector<1024x2xf32>
    %slice3A_33 = vector.extract_strided_slice %add3A {offsets = [0, 2], sizes = [1024, 2], strides = [1, 1]} : vector<1024x4xf32> to vector<1024x2xf32>
    %add3A_34 = arith.addf %slice3A_32, %slice3A_33 : vector<1024x2xf32>
    %slice3A_35 = vector.extract_strided_slice %add3A_34 {offsets = [0, 0], sizes = [1024, 1], strides = [1, 1]} : vector<1024x2xf32> to vector<1024x1xf32>
    %slice3A_36 = vector.extract_strided_slice %add3A_34 {offsets = [0, 1], sizes = [1024, 1], strides = [1, 1]} : vector<1024x2xf32> to vector<1024x1xf32>
    %add3A_37 = arith.addf %slice3A_35, %slice3A_36 : vector<1024x1xf32>
    %slice3A_38 = vector.extract_strided_slice %mul3A_29 {offsets = [0, 8], sizes = [1024, 8], strides = [1, 1]} : vector<1024x32xf32> to vector<1024x8xf32>
    %slice3A_39 = vector.extract_strided_slice %slice3A_38 {offsets = [0, 0], sizes = [1024, 4], strides = [1, 1]} : vector<1024x8xf32> to vector<1024x4xf32>
    %slice3A_40 = vector.extract_strided_slice %slice3A_38 {offsets = [0, 4], sizes = [1024, 4], strides = [1, 1]} : vector<1024x8xf32> to vector<1024x4xf32>
    %add3A_41 = arith.addf %slice3A_39, %slice3A_40 : vector<1024x4xf32>
    %slice3A_42 = vector.extract_strided_slice %add3A_41 {offsets = [0, 0], sizes = [1024, 2], strides = [1, 1]} : vector<1024x4xf32> to vector<1024x2xf32>
    %slice3A_43 = vector.extract_strided_slice %add3A_41 {offsets = [0, 2], sizes = [1024, 2], strides = [1, 1]} : vector<1024x4xf32> to vector<1024x2xf32>
    %add3A_44 = arith.addf %slice3A_42, %slice3A_43 : vector<1024x2xf32>
    %slice3A_45 = vector.extract_strided_slice %add3A_44 {offsets = [0, 0], sizes = [1024, 1], strides = [1, 1]} : vector<1024x2xf32> to vector<1024x1xf32>
    %slice3A_46 = vector.extract_strided_slice %add3A_44 {offsets = [0, 1], sizes = [1024, 1], strides = [1, 1]} : vector<1024x2xf32> to vector<1024x1xf32>
    %add3A_47 = arith.addf %slice3A_45, %slice3A_46 : vector<1024x1xf32>
    %slice3A_48 = vector.extract_strided_slice %mul3A_29 {offsets = [0, 16], sizes = [1024, 8], strides = [1, 1]} : vector<1024x32xf32> to vector<1024x8xf32>
    %slice3A_49 = vector.extract_strided_slice %slice3A_48 {offsets = [0, 0], sizes = [1024, 4], strides = [1, 1]} : vector<1024x8xf32> to vector<1024x4xf32>
    %slice3A_50 = vector.extract_strided_slice %slice3A_48 {offsets = [0, 4], sizes = [1024, 4], strides = [1, 1]} : vector<1024x8xf32> to vector<1024x4xf32>
    %add3A_51 = arith.addf %slice3A_49, %slice3A_50 : vector<1024x4xf32>
    %slice3A_52 = vector.extract_strided_slice %add3A_51 {offsets = [0, 0], sizes = [1024, 2], strides = [1, 1]} : vector<1024x4xf32> to vector<1024x2xf32>
    %slice3A_53 = vector.extract_strided_slice %add3A_51 {offsets = [0, 2], sizes = [1024, 2], strides = [1, 1]} : vector<1024x4xf32> to vector<1024x2xf32>
    %add3A_54 = arith.addf %slice3A_52, %slice3A_53 : vector<1024x2xf32>
    %slice3A_55 = vector.extract_strided_slice %add3A_54 {offsets = [0, 0], sizes = [1024, 1], strides = [1, 1]} : vector<1024x2xf32> to vector<1024x1xf32>
    %slice3A_56 = vector.extract_strided_slice %add3A_54 {offsets = [0, 1], sizes = [1024, 1], strides = [1, 1]} : vector<1024x2xf32> to vector<1024x1xf32>
    %add3A_57 = arith.addf %slice3A_55, %slice3A_56 : vector<1024x1xf32>
    %slice3A_58 = vector.extract_strided_slice %mul3A_29 {offsets = [0, 24], sizes = [1024, 8], strides = [1, 1]} : vector<1024x32xf32> to vector<1024x8xf32>
    %slice3A_59 = vector.extract_strided_slice %slice3A_58 {offsets = [0, 0], sizes = [1024, 4], strides = [1, 1]} : vector<1024x8xf32> to vector<1024x4xf32>
    %slice3A_60 = vector.extract_strided_slice %slice3A_58 {offsets = [0, 4], sizes = [1024, 4], strides = [1, 1]} : vector<1024x8xf32> to vector<1024x4xf32>
    %add3A_61 = arith.addf %slice3A_59, %slice3A_60 : vector<1024x4xf32>
    %slice3A_62 = vector.extract_strided_slice %add3A_61 {offsets = [0, 0], sizes = [1024, 2], strides = [1, 1]} : vector<1024x4xf32> to vector<1024x2xf32>
    %slice3A_63 = vector.extract_strided_slice %add3A_61 {offsets = [0, 2], sizes = [1024, 2], strides = [1, 1]} : vector<1024x4xf32> to vector<1024x2xf32>
    %add3A_64 = arith.addf %slice3A_62, %slice3A_63 : vector<1024x2xf32>
    %slice3A_65 = vector.extract_strided_slice %add3A_64 {offsets = [0, 0], sizes = [1024, 1], strides = [1, 1]} : vector<1024x2xf32> to vector<1024x1xf32>
    %slice3A_66 = vector.extract_strided_slice %add3A_64 {offsets = [0, 1], sizes = [1024, 1], strides = [1, 1]} : vector<1024x2xf32> to vector<1024x1xf32>
    %add3A_67 = arith.addf %slice3A_65, %slice3A_66 : vector<1024x1xf32>
    %add3A_68 = arith.addf %add3A_37, %add3A_47 : vector<1024x1xf32>
    %add3A_69 = arith.addf %add3A_57, %add3A_67 : vector<1024x1xf32>
    %add3A_70 = arith.addf %add3A_68, %add3A_69 : vector<1024x1xf32>
    %sub3A_71 = arith.subf %get3A_1, %dot_general3A_27 : vector<1024x32xf32>
    %mul3A_72 = arith.mulf %sub3A_71, %sub3A_71 : vector<1024x32xf32>
    %slice3A_73 = vector.extract_strided_slice %mul3A_72 {offsets = [0, 0], sizes = [1024, 8], strides = [1, 1]} : vector<1024x32xf32> to vector<1024x8xf32>
    %slice3A_74 = vector.extract_strided_slice %slice3A_73 {offsets = [0, 0], sizes = [1024, 4], strides = [1, 1]} : vector<1024x8xf32> to vector<1024x4xf32>
    %slice3A_75 = vector.extract_strided_slice %slice3A_73 {offsets = [0, 4], sizes = [1024, 4], strides = [1, 1]} : vector<1024x8xf32> to vector<1024x4xf32>
    %add3A_76 = arith.addf %slice3A_74, %slice3A_75 : vector<1024x4xf32>
    %slice3A_77 = vector.extract_strided_slice %add3A_76 {offsets = [0, 0], sizes = [1024, 2], strides = [1, 1]} : vector<1024x4xf32> to vector<1024x2xf32>
    %slice3A_78 = vector.extract_strided_slice %add3A_76 {offsets = [0, 2], sizes = [1024, 2], strides = [1, 1]} : vector<1024x4xf32> to vector<1024x2xf32>
    %add3A_79 = arith.addf %slice3A_77, %slice3A_78 : vector<1024x2xf32>
    %slice3A_80 = vector.extract_strided_slice %add3A_79 {offsets = [0, 0], sizes = [1024, 1], strides = [1, 1]} : vector<1024x2xf32> to vector<1024x1xf32>
    %slice3A_81 = vector.extract_strided_slice %add3A_79 {offsets = [0, 1], sizes = [1024, 1], strides = [1, 1]} : vector<1024x2xf32> to vector<1024x1xf32>
    %add3A_82 = arith.addf %slice3A_80, %slice3A_81 : vector<1024x1xf32>
    %slice3A_83 = vector.extract_strided_slice %mul3A_72 {offsets = [0, 8], sizes = [1024, 8], strides = [1, 1]} : vector<1024x32xf32> to vector<1024x8xf32>
    %slice3A_84 = vector.extract_strided_slice %slice3A_83 {offsets = [0, 0], sizes = [1024, 4], strides = [1, 1]} : vector<1024x8xf32> to vector<1024x4xf32>
    %slice3A_85 = vector.extract_strided_slice %slice3A_83 {offsets = [0, 4], sizes = [1024, 4], strides = [1, 1]} : vector<1024x8xf32> to vector<1024x4xf32>
    %add3A_86 = arith.addf %slice3A_84, %slice3A_85 : vector<1024x4xf32>
    %slice3A_87 = vector.extract_strided_slice %add3A_86 {offsets = [0, 0], sizes = [1024, 2], strides = [1, 1]} : vector<1024x4xf32> to vector<1024x2xf32>
    %slice3A_88 = vector.extract_strided_slice %add3A_86 {offsets = [0, 2], sizes = [1024, 2], strides = [1, 1]} : vector<1024x4xf32> to vector<1024x2xf32>
    %add3A_89 = arith.addf %slice3A_87, %slice3A_88 : vector<1024x2xf32>
    %slice3A_90 = vector.extract_strided_slice %add3A_89 {offsets = [0, 0], sizes = [1024, 1], strides = [1, 1]} : vector<1024x2xf32> to vector<1024x1xf32>
    %slice3A_91 = vector.extract_strided_slice %add3A_89 {offsets = [0, 1], sizes = [1024, 1], strides = [1, 1]} : vector<1024x2xf32> to vector<1024x1xf32>
    %add3A_92 = arith.addf %slice3A_90, %slice3A_91 : vector<1024x1xf32>
    %slice3A_93 = vector.extract_strided_slice %mul3A_72 {offsets = [0, 16], sizes = [1024, 8], strides = [1, 1]} : vector<1024x32xf32> to vector<1024x8xf32>
    %slice3A_94 = vector.extract_strided_slice %slice3A_93 {offsets = [0, 0], sizes = [1024, 4], strides = [1, 1]} : vector<1024x8xf32> to vector<1024x4xf32>
    %slice3A_95 = vector.extract_strided_slice %slice3A_93 {offsets = [0, 4], sizes = [1024, 4], strides = [1, 1]} : vector<1024x8xf32> to vector<1024x4xf32>
    %add3A_96 = arith.addf %slice3A_94, %slice3A_95 : vector<1024x4xf32>
    %slice3A_97 = vector.extract_strided_slice %add3A_96 {offsets = [0, 0], sizes = [1024, 2], strides = [1, 1]} : vector<1024x4xf32> to vector<1024x2xf32>
    %slice3A_98 = vector.extract_strided_slice %add3A_96 {offsets = [0, 2], sizes = [1024, 2], strides = [1, 1]} : vector<1024x4xf32> to vector<1024x2xf32>
    %add3A_99 = arith.addf %slice3A_97, %slice3A_98 : vector<1024x2xf32>
    %slice3A_100 = vector.extract_strided_slice %add3A_99 {offsets = [0, 0], sizes = [1024, 1], strides = [1, 1]} : vector<1024x2xf32> to vector<1024x1xf32>
    %slice3A_101 = vector.extract_strided_slice %add3A_99 {offsets = [0, 1], sizes = [1024, 1], strides = [1, 1]} : vector<1024x2xf32> to vector<1024x1xf32>
    %add3A_102 = arith.addf %slice3A_100, %slice3A_101 : vector<1024x1xf32>
    %slice3A_103 = vector.extract_strided_slice %mul3A_72 {offsets = [0, 24], sizes = [1024, 8], strides = [1, 1]} : vector<1024x32xf32> to vector<1024x8xf32>
    %slice3A_104 = vector.extract_strided_slice %slice3A_103 {offsets = [0, 0], sizes = [1024, 4], strides = [1, 1]} : vector<1024x8xf32> to vector<1024x4xf32>
    %slice3A_105 = vector.extract_strided_slice %slice3A_103 {offsets = [0, 4], sizes = [1024, 4], strides = [1, 1]} : vector<1024x8xf32> to vector<1024x4xf32>
    %add3A_106 = arith.addf %slice3A_104, %slice3A_105 : vector<1024x4xf32>
    %slice3A_107 = vector.extract_strided_slice %add3A_106 {offsets = [0, 0], sizes = [1024, 2], strides = [1, 1]} : vector<1024x4xf32> to vector<1024x2xf32>
    %slice3A_108 = vector.extract_strided_slice %add3A_106 {offsets = [0, 2], sizes = [1024, 2], strides = [1, 1]} : vector<1024x4xf32> to vector<1024x2xf32>
    %add3A_109 = arith.addf %slice3A_107, %slice3A_108 : vector<1024x2xf32>
    %slice3A_110 = vector.extract_strided_slice %add3A_109 {offsets = [0, 0], sizes = [1024, 1], strides = [1, 1]} : vector<1024x2xf32> to vector<1024x1xf32>
    %slice3A_111 = vector.extract_strided_slice %add3A_109 {offsets = [0, 1], sizes = [1024, 1], strides = [1, 1]} : vector<1024x2xf32> to vector<1024x1xf32>
    %add3A_112 = arith.addf %slice3A_110, %slice3A_111 : vector<1024x1xf32>
    %add3A_113 = arith.addf %add3A_82, %add3A_92 : vector<1024x1xf32>
    %add3A_114 = arith.addf %add3A_102, %add3A_112 : vector<1024x1xf32>
    %add3A_115 = arith.addf %add3A_113, %add3A_114 : vector<1024x1xf32>
    %lt3A = arith.cmpf olt, %add3A_70, %add3A_115 : vector<1024x1xf32>
    %eq3A_116 = arith.cmpf oeq, %add3A_70, %add3A_115 : vector<1024x1xf32>
    %broadcast_in_dim3A_117 = vector.shape_cast %argmin3A : vector<1024xi32> to vector<1024x1xi32>
    %broadcast_in_dim3A_118 = vector.shape_cast %argmin3A_17 : vector<1024xi32> to vector<1024x1xi32>
    %lt3A_119 = arith.cmpi slt, %broadcast_in_dim3A_117, %broadcast_in_dim3A_118 : vector<1024x1xi32>
    %and3A = arith.andi %eq3A_116, %lt3A_119 : vector<1024x1xi1>
    %or3A = arith.ori %lt3A, %and3A : vector<1024x1xi1>
    %squeeze3A = vector.shape_cast %or3A : vector<1024x1xi1> to vector<1024xi1>
    %select_n3A_120 = arith.select %squeeze3A, %argmin3A, %argmin3A_17 : vector<1024xi1>, vector<1024xi32>
    %select_n3A_121 = arith.select %or3A, %add3A_70, %add3A_115 : vector<1024x1xi1>, vector<1024x1xf32>
    %broadcast_in_dim3A_122 = vector.shape_cast %select_n3A_120 : vector<1024xi32> to vector<1024x1xi32>
    %swap3A = arith.constant 0 : index
    %swap3A_123 = arith.constant 0 : index
    %swap3A_124 = vector.load %arg4[%swap3A, %swap3A_123] : memref<1024x1xi32, #tpu.memory_space<vmem>>, vector<1024x1xi32>
    tpu.vector_store %arg4[%swap3A, %swap3A_123], %broadcast_in_dim3A_122 {strides = array<i32>} : memref<1024x1xi32, #tpu.memory_space<vmem>>, vector<1024x1xi32>,
    %reduce_sum3A_125 = arith.constant dense<0.000000e+00> : vector<1xf32>
    %reduce_sum3A_126 = vector.multi_reduction <add>, %select_n3A_121, %reduce_sum3A_125 [0] : vector<1024x1xf32> to vector<1xf32>
    %broadcast_in_dim3A_127 = vector.shape_cast %reduce_sum3A_126 : vector<1xf32> to vector<1x1xf32>
    %mul3A_128 = arith.constant 9.53674316E-7 : f32
    %mul3A_129 = vector.broadcast %mul3A_128 : f32 to vector<1x1xf32>
    %mul3A_130 = arith.mulf %broadcast_in_dim3A_127, %mul3A_129 : vector<1x1xf32>
    %eq3A_131 = arith.constant 0 : i32
    %eq3A_132 = arith.cmpi eq, %arg0, %eq3A_131 : i32
    %convert_element_type3A_133 = arith.extui %eq3A_132 : i1 to i32
    %cond3A = arith.constant 0 : i32
    %cond3A_134 = arith.cmpi ne, %convert_element_type3A_133, %cond3A : i32
    scf.if %cond3A_134 {
      %broadcast_in_dim3A_142 = arith.constant 0.000000e+00 : f32
      %broadcast_in_dim3A_143 = vector.broadcast %broadcast_in_dim3A_142 : f32 to vector<1x1xf32>
      %swap3A_144 = arith.constant 0 : index
      %swap3A_145 = arith.constant 0 : index
      %swap3A_146 = vector.load %arg5[%swap3A_144, %swap3A_145] : memref<1x1xf32, #tpu.memory_space<vmem>>, vector<1x1xf32>
      tpu.vector_store %arg5[%swap3A_144, %swap3A_145], %broadcast_in_dim3A_143 {strides = array<i32>} : memref<1x1xf32, #tpu.memory_space<vmem>>, vector<1x1xf32>,
    } else {
    }
    %get3A_135 = arith.constant 0 : index
    %get3A_136 = arith.constant 0 : index
    %get3A_137 = vector.load %arg5[%get3A_135, %get3A_136] : memref<1x1xf32, #tpu.memory_space<vmem>>, vector<1x1xf32>
    %add3A_138 = arith.addf %get3A_137, %mul3A_130 : vector<1x1xf32>
    %swap3A_139 = arith.constant 0 : index
    %swap3A_140 = arith.constant 0 : index
    %swap3A_141 = vector.load %arg5[%swap3A_139, %swap3A_140] : memref<1x1xf32, #tpu.memory_space<vmem>>, vector<1x1xf32>
    tpu.vector_store %arg5[%swap3A_139, %swap3A_140], %add3A_138 {strides = array<i32>} : memref<1x1xf32, #tpu.memory_space<vmem>>, vector<1x1xf32>,
    return
  }
  func.func @transform_0(%arg0: i32) -> (i32, i32) {
    %c0_i32 = arith.constant 0 : i32
    %c0_i32_0 = arith.constant 0 : i32
    return %arg0, %c0_i32 : i32, i32
  }
  func.func @transform_1(%arg0: i32) -> (i32, i32) {
    %c0_i32 = arith.constant 0 : i32
    %c0_i32_0 = arith.constant 0 : i32
    %c0_i32_1 = arith.constant 0 : i32
    return %c0_i32, %c0_i32_0 : i32, i32
  }
  func.func @transform_2(%arg0: i32) -> (i32, i32) {
    %c0_i32 = arith.constant 0 : i32
    %c0_i32_0 = arith.constant 0 : i32
    %c0_i32_1 = arith.constant 0 : i32
    return %c0_i32, %c0_i32_0 : i32, i32
  }
  func.func @transform_3(%arg0: i32) -> (i32, i32) {
    %c0_i32 = arith.constant 0 : i32
    %c0_i32_0 = arith.constant 0 : i32
    return %arg0, %c0_i32 : i32, i32
  }
  func.func @transform_4(%arg0: i32) -> (i32, i32) {
    %c0_i32 = arith.constant 0 : i32
    %c0_i32_0 = arith.constant 0 : i32
    %c0_i32_1 = arith.constant 0 : i32
    return %c0_i32, %c0_i32_0 : i32, i32
  }
}

</mosaic_0001>

<sc_bundles>
// kernel: kernel.4.cloned.1.call-start
scs
__scs_entry_jumppad:
0x0: {  	(pc) =	sbr.rel $0x88, $3  }
0x1: {  	(tag) =	ssettag $0x0;
	lr =	simm.s32 $0x1  }
0x2: {  	[smem:$0x3F9F] =	sst lr;
	_ =	strace $0xD0000000  }
0x3: {  	_ = 	snop  }
0x4: {  	_ = 	snop  }
0x5: {  	_ = 	snop  }
0x6: {  	_ = 	snop  }
0x7: {  	_ = 	snop  }
__scs_overlays_trampoline_lowered:
0x8: {  	[smem:$0x3FAE] =	sst s0  }
0x9: {  	[smem:$0x3FAF] =	sst s1  }
0xa: {  	[smem:$0x3FB0] =	sst s2  }
0xb: {  	[smem:$0x3FB1] =	sst s3  }
0xc: {  	[smem:$0x3FB2] =	sst s4  }
0xd: {  	[smem:$0x3FB3] =	sst s5  }
0xe: {  	[smem:$0x3FB4] =	sst s6  }
0xf: {  	[smem:$0x3FB5] =	sst s7  }
0x10: {  	[smem:$0x3FB6] =	sst s8  }
0x11: {  	[smem:$0x3FB7] =	sst s9;
	s0 =	simm.s32 @!p0 $0x0  }
0x12: {  	s1 =	sld [smem:$0x3F9D];
	s0 =	simm.s32 @p0 $0x1  }
0x13: {  	[smem:$0x3FB8] =	sst s0;
	s0 =	simm.s32 @!p1 $0x0  }
0x14: {  	s2 =	sld [smem:$0x3F9C];
	s0 =	simm.s32 @p1 $0x1  }
0x15: {  	[smem:$0x3FB9] =	sst s0;
	s0 =	simm.s32 @!p2 $0x0  }
0x16: {  	s3 =	sld [smem:$0x3FDB];
	s0 =	simm.s32 @p2 $0x1  }
0x17: {  	s4 =	simm.s32 $0x1BF5;
	[smem:$0x3FBB] =	sst s0  }
0x18: {  	s0 =	sld [smem:$0x3F9E];
	_ =	swait.ge [sflag:s4], $0x0  }
0x19: {  	s7 =	sld [smem:$0x3F9F]  }
0x1a: {  	s8 =	sadd.s32 $0xFFFFE003, lr  }
0x1b: {  	s9 =	sadd.s32 $0xFFFFFEF7, lr;
	s5 =	simm.s32 $0xFFFFFFFF;
	p2 =	slt.u32 s8, $0xFFFFF086  }
0x1c: {  	p1 =	slt.u32 s9, $0xF7A;
	s5 =	simm.s32 @!p2 $0x0  }
0x1d: {  	s5 =	simm.s32 @p1 $0x1;
	p0 =	seq.s32 s7, s2  }
0x1e: {  	s7 =	smul.u32 @!p0 $0xF7A, s2;
	p2 =	seq.s32 @!p0 s5, $0x0  }
0x1f: {  	s9 =	smul.u32 $0xF7A, s1;
	s8 =	simm.s32 @!p0 $0x1BF5;
	p2 =	por !p2, p0  }
0x20: {  	[sflag:s8] =	ssyncset.s32 @!p0 $0xFFFFF086;
	s6 =	sadd.s32 @!p0 s3, s7;
	s7 =	simm.s32 @!p0 $0x108  }
0x21: {  	s3 =	sadd.s32 s3, s9;
	s6 =	sadd.s32 @!p0 $0x88, s6;
	s7 =	simm.s32 @p2 $0x1082  }
0x22: {  	[simem:s7], [sflag:s8] =	dma.local @!p0 [hbm:s6], $0xF7A  }
0x23: {  	s9 =	sor.u32 $0xD0000000, s2;
	s6 =	simm.s32 $0x108;
	_ =	swait.ge @!p0 [sflag:s8], $0x0  }
0x24: {  	s3 =	sadd.s32 $0x88, s3;
	s6 =	simm.s32 @!p1 $0x1082;
	[sflag:s4] =	ssyncset.s32 $0xFFFFF086  }
0x25: {  	[simem:s6], [sflag:s4] =	dma.local [hbm:s3], $0xF7A  }
0x26: {  	[smem:$0x3F9F] =	sst s1;
	(tag) =	ssettag s2;
	_ =	strace s9  }
0x27: {  	s1 =	sld [smem:$0x3FAF]  }
0x28: {  	s2 =	sld [smem:$0x3FB0]  }
0x29: {  	s4 =	sld [smem:$0x3FB2]  }
0x2a: {  	p0 =	seq.s32 s5, $0x0;
	s5 =	sld [smem:$0x3FB3]  }
0x2b: {  	s6 =	sld [smem:$0x3FB4]  }
0x2c: {  	s7 =	sld [smem:$0x3FB5]  }
0x2d: {  	s3 =	simm.s32 $0x108;
	s8 =	sld [smem:$0x3FB6]  }
0x2e: {  	s3 =	simm.s32 @!p0 $0x1082;
	s9 =	sld [smem:$0x3FB7]  }
0x2f: {  	lr =	sadd.s32 s0, s3;
	s0 =	sld [smem:$0x3FAE]  }
0x30: {  	s3 =	sld [smem:$0x3FB1]  }
0x31: {  	[smem:$0x3FBA] =	sst s10  }
0x32: {  	s10 =	sld [smem:$0x3FB8];
	_ =	sdelay $0x3  }
0x33: {  	p0 =	seq.s32 s10, $0x1;
	s10 =	sld [smem:$0x3FBA];
	_ =	sdelay $0x3  }
0x34: {  	[smem:$0x3FBA] =	sst s10  }
0x35: {  	s10 =	sld [smem:$0x3FB9];
	_ =	sdelay $0x3  }
0x36: {  	p1 =	seq.s32 s10, $0x1;
	s10 =	sld [smem:$0x3FBA];
	_ =	sdelay $0x3  }
0x37: {  	[smem:$0x3FBA] =	sst s10  }
0x38: {  	s10 =	sld [smem:$0x3FBB]  }
0x39: {  	_ = 	snop;
	(pc) =	sbr.ind lr, $3  }
0x3a: {  	_ = 	snop  }
0x3b: {  	_ = 	snop  }
0x3c: {  	p2 =	seq.s32 s10, $0x1;
	s10 =	sld [smem:$0x3FBA]  }
0x3d: {  	_ =	shalt  }
0x3e: {  	_ =	shalt  }
0x3f: {  	_ =	shalt  }
0x40: {  	_ =	shalt  }
0x41: {  	_ =	shalt  }
0x42: {  	_ =	shalt  }
0x43: {  	_ =	shalt  }
0x44: {  	_ =	shalt  }
0x45: {  	_ =	shalt  }
0x46: {  	_ =	shalt  }
0x47: {  	_ =	shalt  }
0x48: {  	_ =	shalt  }
0x49: {  	_ =	shalt  }
0x4a: {  	_ =	shalt  }
0x4b: {  	_ =	shalt  }
0x4c: {  	_ =	shalt  }
0x4d: {  	_ =	shalt  }
0x4e: {  	_ =	shalt  }
0x4f: {  	_ =	shalt  }
0x50: {  	_ =	shalt  }
0x51: {  	_ =	shalt  }
0x52: {  	_ =	shalt  }
0x53: {  	_ =	shalt  }
0x54: {  	_ =	shalt  }
0x55: {  	_ =	shalt  }
0x56: {  	_ =	shalt  }
0x57: {  	_ =	shalt  }
0x58: {  	_ =	shalt  }
0x59: {  	_ =	shalt  }
0x5a: {  	_ =	shalt  }
0x5b: {  	_ =	shalt  }
0x5c: {  	_ =	shalt  }
0x5d: {  	_ =	shalt  }
0x5e: {  	_ =	shalt  }
0x5f: {  	_ =	shalt  }
0x60: {  	_ =	shalt  }
0x61: {  	_ =	shalt  }
0x62: {  	_ =	shalt  }
0x63: {  	_ =	shalt  }
0x64: {  	_ =	shalt  }
0x65: {  	_ =	shalt  }
0x66: {  	_ =	shalt  }
0x67: {  	_ =	shalt  }
0x68: {  	_ =	shalt  }
0x69: {  	_ =	shalt  }
0x6a: {  	_ =	shalt  }
0x6b: {  	_ =	shalt  }
0x6c: {  	_ =	shalt  }
0x6d: {  	_ =	shalt  }
0x6e: {  	_ =	shalt  }
0x6f: {  	_ =	shalt  }
0x70: {  	_ =	shalt  }
0x71: {  	_ =	shalt  }
0x72: {  	_ =	shalt  }
0x73: {  	_ =	shalt  }
0x74: {  	_ =	shalt  }
0x75: {  	_ =	shalt  }
0x76: {  	_ =	shalt  }
0x77: {  	_ =	shalt  }
0x78: {  	_ =	shalt  }
0x79: {  	_ =	shalt  }
0x7a: {  	_ =	shalt  }
0x7b: {  	_ =	shalt  }
0x7c: {  	_ =	shalt  }
0x7d: {  	_ =	shalt  }
0x7e: {  	_ =	shalt  }
0x7f: {  	_ =	shalt  }
0x80: {  	_ =	shalt  }
0x81: {  	_ =	shalt  }
0x82: {  	_ =	shalt  }
0x83: {  	_ =	shalt  }
0x84: {  	_ =	shalt  }
0x85: {  	_ =	shalt  }
0x86: {  	_ =	shalt  }
0x87: {  	_ =	shalt  }
.Lfunc_end0:
.L_simem_size_0:
called_computation_lowered:
.L_overlay_start_0:
0x88: {  	s2 =	sld [smem:$0x3FD9]  }
0x89: {  	s3 =	sld [smem:$0x3FFE];
	_ =	sdelay $0x1  }
0x8a: {  	s1 =	srdreg.scid  }
0x8b: {  	s0 =	sand.u32 $0x1, s1  }
0x8c: {  	s14 =	sshll.u32 s0, $0xA;
	s2 =	sadd.s32 s3, s2  }
0x8d: {  	s2 =	sadd.s32 s2, s14  }
0x8e: {  	[smem:$0x3FC6] =	sst s2  }
0x8f: {  	_ = 	snop  }
0x90: {  	s2 =	sld [smem:$0x3FD0];
	_ =	sdelay $0x2  }
0x91: {  	s15 =	simm.s32 $0xA;
	s4 =	simm.s32 $0x10  }
0x92: {  	[smem:s4], [sflag:s15] =	dma.local [hbm:s2], $0x1  }
0x93: {  	_ =	swait.eq [sflag:s15], $0x1  }
0x94: {  	[sflag:s15] =	ssyncset.done $0x0  }
0x95: {  	[sflag:s15] =	ssyncadd.s32 $0xFFFFFFFF  }
0x96: {  	s16 =	sld [smem:$0x10];
	(tm) =	ssettm $0x1  }
0x97: {  	s17 =	sld [smem:$0x3FFB];
	_ =	sdelay $0x3  }
0x98: {  	_ =	strace s17  }
0x99: {  	s3 =	sld [smem:$0x3FFC];
	_ =	sdelay $0x3  }
0x9a: {  	_ =	strace s3  }
0x9b: {  	s3 =	sld [smem:$0x3FFD];
	_ =	sdelay $0x3  }
0x9c: {  	_ =	strace s3  }
0x9d: {  	_ =	strace $0x8FFFFFFF  }
0x9e: {  	s18 =	sld [smem:$0x3FDB];
	_ =	sdelay $0x1  }
0x9f: {  	s19 =	simm.s32 $_scs_section_size  }
0xa0: {  	s5 =	simm.s32 $_size__tile_overlayer_lowered;
	s6 =	simm.s32 $_tile_overlayer_lowered  }
0xa1: {  	s22 =	simm.s32 $0x1BFF;
	s21 =	sshll.u32 s6, $0x1;
	s3 =	sadd.s32 s19, s18  }
0xa2: {  	s7 =	simm.s32 $0x0;
	s20 =	sshll.u32 s5, $0x1;
	s5 =	sadd.s32 s21, s3  }
0xa3: {  	[timem:s7], [sflag:s22] =	dma.local [hbm:s5], s20  }
0xa4: {  	_ =	swait.ge [sflag:s22], s20  }
0xa5: {  	s4 =	ssub.s32 $0x0, s20;
	[sflag:s22] =	ssyncset.done $0x0  }
0xa6: {  	[sflag:s22] =	ssyncadd.s32 s4;
	_ =	sdelay $0x1  }
0xa7: {  	s23 =	simm.s32 $0x1B8B  }
0xa8: {  	_ =	swait.ge [sflag:s23], $0x1  }
0xa9: {  	[sflag:s23] =	ssyncset.done $0x0  }
0xaa: {  	s25 =	simm.s32 $0x1B8E;
	s24 =	sld [smem:$0x3FFE];
	[sflag:s23] =	ssyncadd.s32 $0xFFFFFFFF  }
0xab: {  	s26 =	simm.s32 $execute0_lowered;
	[smem:$0x3FD2] =	sst s25  }
0xac: {  	s5 =	sshll.u32 s26, $0x1;
	_ =	strace $0x80000046;
	[dreg:$0x1] =	wrdreg $0xFFFFFFFF  }
0xad: {  	s28 =	simm.s32 $_size_execute0_lowered;
	s3 =	sadd.s32 s3, s5;
	[dreg:$0x0] =	wrdreg $0x0  }
0xae: {  	s5 =	sshll.u32 s28, $0x1;
	[dreg:$0x2] =	wrdreg s3  }
0xaf: {  	[dreg:$0x3] =	wrdreg s5  }
0xb0: {  	[dreg:$0x4] =	wrdreg $0xC0  }
0xb1: {  	_ =	task [dreg:s7], $0x5FFFF  }
0xb2: {  	[dreg:$0x1] =	wrdreg $0xFFFFFFFF  }
0xb3: {  	[dreg:$0x0] =	wrdreg $0x60  }
0xb4: {  	[dreg:$0x2] =	wrdreg s24  }
0xb5: {  	[dreg:$0x3] =	wrdreg s16  }
0xb6: {  	[dreg:$0x4] =	wrdreg $0x9  }
0xb7: {  	_ =	task.clear_ibuf [dreg:s7], $0x5FFFF;
	_ =	strace $0x90000046  }
0xb8: {  	s29 =	simm.s32 $0x9;
	_ =	strace $0x80000048  }
0xb9: {  	_ =	swait.ge [sflag:s29], $0x1  }
0xba: {  	[sflag:s29] =	ssyncadd.s32 $0xFFFFFFFF  }
0xbb: {  	_ =	strace $0x90000048  }
0xbc: {  	_ =	sfence  }
0xbd: {  	s30 =	sld [smem:$0x0];
	_ =	sdelay $0x2  }
0xbe: {  	s31 =	sshll.u32 s1, $0xD;
	s1 =	sshrl.u32 s1, $0x2  }
0xbf: {  	s3 =	sand.u32 $0x4000, s31;
	s1 =	sadd.s32 s1, s30  }
0xc0: {  	s0 =	sor.u32 s3, s0;
	s1 =	sshll.u32 s1, $0x11  }
0xc1: {  	s0 =	sor.u32 s1, s0  }
0xc2: {  	s0 =	sadd.s32 $0x8F2B, s0  }
0xc3: {  	[sflag:s0] =	ssyncadd.remote.s32 $0x1  }
0xc4: {  	_ =	sfence.sel $0xFFFF  }
0xc5: {  	[dreg:$0x0] =	wrdreg $0xFFFFFFFF;
	(pc) =	sbr.abs _section_cstart, $3  }
0xc6: {  	[dreg:$0x1] =	wrdreg $0xFFFFFFFF  }
0xc7: {  	_ =	task.clear_ibuf [dreg:s7], $0x2FFFF;
	_ =	strace $0x9FFFFFFF  }
0xc8: {  	(tm) =	ssettm $0x7FFFFFFF  }
0xc9: {  	_ =	shalt  }
tec
execute0_lowered:
.L_overlay_start_1:
0x0: {  	(tag) =	ssettag $0x1  }
0x1: {  	s1 =	srdreg.scid  }
0x2: {  	s0 =	stileid.u32;
	s6 =	sand.u32 $0x1, s1  }
0x3: {  	s5 =	rddreg [dreg:$0x0];
	s30 =	sshll.u32 s0, $0x9;
	s2 =	sshll.u32 s6, $0x8  }
0x4: {  	s8 =	rddreg [dreg:$0x1];
	s9 =	sor.u32 s2, s30  }
0x5: {  	s1 =	rddreg [dreg:$0x2];
	s2 =	simm.s32 $0x0;
	s3 =	sshrl.u32 s9, $0x3  }
0x6: {  	s10 =	ssub.s32 $0x2, s6;
	[smem:$0x7FF] =	sst s2;
	s3 =	sadd.s32 s3, s5  }
0x7: {  	_ =	strace $0x80000047;
	s4 =	sadd.s32 $0xE00, s3;
	s3 =	simm.s32 $0x2  }
0x8: {  	[tilespmem:s2], [sflag:$0x2] =	stream.linear.gather [hbm4b:s4+s2], $0x100, $0x38;
	[tilespmem:$0x2100] =	vst v63  }
0x9: {  	s7 =	simm.s32 $0x1;
	s11 =	sshrl.u32 s10, $0x1;
	_ =	swait.ge [sflag:s3], $0x100  }
0xa: {  	s6 =	simm.s32 $0x100;
	s10 =	ssub.s32 s10, s11;
	[sflag:s3] =	ssyncset.done $0x0  }
0xb: {  	s5 =	sadd.s32 $0x600, s5;
	s31 =	smax.u32 s10, $0x1;
	[sflag:s3] =	ssyncadd.s32 $0xFFFFFF00  }
0xc: {  	[tilespmem:s6], [sflag:$0x1] =	stream.indirect.gather [hbm4b:s5+s6], $0x20, s2, s6, $0xb8;
	[tilespmem:$0x2100] =	vst v63  }
0xd: {  	p0 =	sne.s32 s31, $0x1;
	_ =	swait.ge [sflag:s7], $0x2000  }
.Ltmp0:
0xe: {  	s9 =	sshll.u32 s9, $0x2;
	[sflag:s7] =	ssyncset.done $0x0;
	(pc) =	sbr.rel @!p0 .LBB2_2-.Ltmp0, $4  }
0xf: {  	s8 =	sadd.s32 s8, s9;
	[sflag:s7] =	ssyncadd.s32 $0xFFFFE000  }
0x10: {  	[hbm4b:s8+s2] =	stream.linear.scatter [tilespmem:s6], [sflag:$0x2], $0x2000, $0x38;
	[tilespmem:$0x2100] =	vst v63  }
0x11: {  	_ =	swait.ge [sflag:s3], $0x2000  }
0x12: {  	s9 =	sadd.s32 $0xFFFFFFFF, s31;
	[sflag:s3] =	ssyncset.done $0x0  }
.LBB2_1:
0x13: {  	p0 =	sne.s32 s9, $0x1;
	s9 =	sadd.s32 $0xFFFFFFFF, s9;
	[sflag:s3] =	ssyncadd.s32 $0xFFFFE000  }
0x14: {  	[tilespmem:s2], [sflag:$0x2] =	stream.linear.gather [hbm4b:s4+s2], $0x100, $0x38;
	[tilespmem:$0x2100] =	vst v63  }
0x15: {  	_ =	swait.ge [sflag:s3], $0x100  }
0x16: {  	[sflag:s3] =	ssyncset.done $0x0  }
0x17: {  	[sflag:s3] =	ssyncadd.s32 $0xFFFFFF00  }
0x18: {  	[tilespmem:s6], [sflag:$0x1] =	stream.indirect.gather [hbm4b:s5+s6], $0x20, s2, s6, $0xb8;
	[tilespmem:$0x2100] =	vst v63  }
0x19: {  	_ =	swait.ge [sflag:s7], $0x2000  }
.Ltmp1:
0x1a: {  	[sflag:s7] =	ssyncset.done $0x0;
	(pc) =	sbr.rel @p0 .LBB2_1-.Ltmp1, $4  }
0x1b: {  	[sflag:s7] =	ssyncadd.s32 $0xFFFFE000  }
0x1c: {  	[hbm4b:s8+s2] =	stream.linear.scatter [tilespmem:s6], [sflag:$0x2], $0x2000, $0x38;
	[tilespmem:$0x2100] =	vst v63  }
0x1d: {  	_ =	swait.ge [sflag:s3], $0x2000  }
0x1e: {  	[sflag:s3] =	ssyncset.done $0x0  }
.LBB2_2:
0x1f: {  	[sflag:s3] =	ssyncadd.s32 $0xFFFFE000  }
0x20: {  	_ =	sfence.sel $0x180000  }
0x21: {  	[bflag:$0x0] =	sbarrier.arrive $0xFFFF  }
0x22: {  	p0 =	sne.s32 s0, $0x0;
	_ =	strace $0x90000047  }
0x23: {  	s0 =	sadd.s32 @!p0 $0x100000, s1;
	[bflag:$0x2] =	sbarrier.arrive $0xFFFF  }
0x24: {  	[sflag:s0] =	ssyncadd.tile.s32 @!p0 $0x1;
	_ =	shalt  }
.Lfunc_end2:
_tile_overlayer_lowered:
.L_overlay_start_2:
0x25: {  	(tag) =	ssettag $0x2  }
0x26: {  	s0 =	rddreg [dreg:$0x0];
	s2 =	stileid.u32  }
0x27: {  	s1 =	rddreg [dreg:$0x1];
	p0 =	sne.s32 s2, $0x0  }
0x28: {  	s3 =	rddreg [dreg:$0x2];
	[bflag:$0x3] =	sbarrier.arrive $0xFFFF;
	s2 =	simm.s32 @!p0 $0x1C02  }
0x29: {  	[timem:s3], [sflag:s2] =	dma.local @!p0 [hbm:s0], s1  }
0x2a: {  	s0 =	simm.s32 @!p0 $0x2  }
0x2b: {  	_ =	swait.ge @!p0 [sflag:s0], s1  }
0x2c: {  	s1 =	ssub.s32 @!p0 $0x0, s1;
	[sflag:s0] =	ssyncset.done @!p0 $0x0  }
0x2d: {  	[sflag:s0] =	ssyncadd.s32 @!p0 s1  }
0x2e: {  	[bflag:$0x3] =	sbarrier.arrive $0xFFFF  }
0x2f: {  	_ =	shalt  }

</sc_bundles>
